<compile_context>
chip_gen: v7x
topology: tpu7x:2x2x1
jax: 0.10.2.dev20260603
libtpu: 0.0.44.dev20260713+nightly
codegen_flags: <defaults>
</compile_context>

<pallas_src>
import functools

import jax
import jax.numpy as jnp
from jax import lax
from jax.experimental import pallas as pl
from jax.experimental.pallas import tpu as pltpu
from jax.experimental.pallas import tpu_sc as plsc

_N = 1000
_D0 = 4096
_D1 = 26
_NW = 32
_EPW = _D0 // _NW
_NB = 2

_mesh = plsc.VectorSubcoreMesh(core_axis_name="c", subcore_axis_name="s")


@functools.partial(
    pl.kernel,
    mesh=_mesh,
    out_type=jax.ShapeDtypeStruct((_D0, _D1, _N), jnp.float32),
    scratch_types=[
        pltpu.VMEM((_EPW * _D1 + 16,), jnp.int32),
        pltpu.VMEM((_NB, _D1, _N), jnp.float32),
        pltpu.SemaphoreType.DMA((_NB,)),
    ],
    compiler_params=pltpu.CompilerParams(
        use_tc_tiling_on_sc=True,
        needs_layout_passes=False,
    ),
)
def _sc_onehot(idx_hbm, out_hbm, idx_v, buf, sems):
    wid = lax.axis_index("c") * 16 + lax.axis_index("s")
    lanes = lax.iota(jnp.int32, 16)
    ones = jnp.full((16,), 1.0, jnp.float32)
    zeros = jnp.zeros((16,), jnp.float32)
    tail_mask = lanes < (_D1 - 16)

    pltpu.sync_copy(
        idx_hbm.at[pl.ds(wid * _EPW * _D1, _EPW * _D1)],
        idx_v.at[pl.ds(0, _EPW * _D1)],
    )

    def _zero_row(r, _):
        s = r // _D1
        rr = r - s * _D1

        def _zero_vec(j, _):
            buf[s, rr, pl.ds(j * 16, 16)] = zeros
            return 0

        lax.fori_loop(0, _N // 16, _zero_vec, 0)
        buf[s, rr, pl.ds(_N - 16, 16)] = zeros
        return 0

    lax.fori_loop(0, _NB * _D1, _zero_row, 0)

    def _positions(c):
        base = c * _D1
        cols0 = idx_v[pl.ds(base, 16)]
        cols1 = idx_v[pl.ds(base + 16, 16)]
        return cols0, cols1

    def _chunk(c, _):
        s = lax.rem(c, _NB)
        d0 = wid * _EPW + c

        @pl.when(c >= _NB)
        def _recycle():
            pltpu.make_async_copy(
                buf.at[s], out_hbm.at[d0 - _NB], sems.at[s]
            ).wait()
            oc0, oc1 = _positions(c - _NB)
            plsc.store_scatter(buf.at[s], [lanes, oc0], zeros)
            plsc.store_scatter(
                buf.at[s], [16 + lanes, oc1], zeros, mask=tail_mask
            )

        cols0, cols1 = _positions(c)
        plsc.store_scatter(buf.at[s], [lanes, cols0], ones)
        plsc.store_scatter(
            buf.at[s], [16 + lanes, cols1], ones, mask=tail_mask
        )
        pltpu.make_async_copy(buf.at[s], out_hbm.at[d0], sems.at[s]).start()
        return 0

    lax.fori_loop(0, _EPW, _chunk, 0)

    for k in range(_NB):
        pltpu.make_async_copy(
            buf.at[k], out_hbm.at[wid * _EPW + _EPW - _NB + k], sems.at[k]
        ).wait()


def kernel(input):
    return _sc_onehot(input.reshape(-1))

# --- scband reference (transcript-rebuilt; emitter-appended) ---
"""Pipeline reference for scband-one-hot-layer-53480932769851 (READ-ONLY COPY).

The authoritative reference and input builder live on the scoring server;
editing this copy changes nothing except your own understanding.
"""

import jax, jax.numpy as jnp
import numpy as np

N_CLASSES = 1000

def setup_inputs(seed: int = 0) -> dict:
    key = jax.random.key(seed)
    inp = jax.random.randint(key, (4096, 26), 0, N_CLASSES, dtype=jnp.int64 if jax.config.read('jax_enable_x64') else jnp.int32)
    return {"input": inp}

def reference(input) -> jnp.ndarray:
    # Faithful translation of F.one_hot(input, n).float()
    return jax.nn.one_hot(input, N_CLASSES, dtype=jnp.float32)

if __name__ == "__main__":
    import jax
    _d = setup_inputs()
    print(jax.jit(kernel)(*tuple(_d.values())))

</pallas_src>

<mosaic_0001>
#map = affine_map<(d0, d1) -> (0)>
#map1 = affine_map<(d0, d1) -> (0, 0, 0)>
module attributes {stable_mosaic.version = 14 : i64} {
  func.func @_sc_onehot(%arg0: i32, %arg1: i32, %arg2: memref<106496xi32, #tpu.memory_space<hbm>>, %arg3: memref<4096x26x1000xf32, #tpu.memory_space<hbm>>, %arg4: memref<3344xi32, #tpu.memory_space<vmem>>, %arg5: memref<2x26x1000xf32, #tpu.memory_space<vmem>>, %arg6: memref<2x!tpu.dma_semaphore, #tpu.memory_space<semaphore_mem>>) attributes {dimension_semantics = [#tpu.dimension_semantics<core_parallel>, #tpu.dimension_semantics<subcore_parallel>], iteration_bounds = array<i64: 2, 16>, scalar_prefetch = 0 : i64, scratch_operands = 3 : i64, tpu.core_type = #tpu.core_type<sc_vector_subcore>, window_params = [{transform_indices = #map}, {transform_indices = #map1}]} {
    %mul3A = arith.constant 16 : i32
    %mul3A_0 = arith.muli %arg0, %mul3A : i32
    %add3A = arith.addi %mul3A_0, %arg1 : i32
    %iota3A = tpu.iota {dimensions = array<i32: 0>} : vector<16xi32>
    %broadcast_in_dim3A = arith.constant 1.000000e+00 : f32
    %broadcast_in_dim3A_1 = vector.broadcast %broadcast_in_dim3A : f32 to vector<16xf32>
    %broadcast_in_dim3A_2 = arith.constant 0.000000e+00 : f32
    %broadcast_in_dim3A_3 = vector.broadcast %broadcast_in_dim3A_2 : f32 to vector<16xf32>
    %lt3A = arith.constant 10 : i32
    %lt3A_4 = vector.broadcast %lt3A : i32 to vector<16xi32>
    %lt3A_5 = arith.cmpi slt, %iota3A, %lt3A_4 : vector<16xi32>
    %mul3A_6 = arith.constant 128 : i32
    %mul3A_7 = arith.muli %add3A, %mul3A_6 : i32
    %mul3A_8 = arith.constant 26 : i32
    %mul3A_9 = arith.muli %mul3A_7, %mul3A_8 : i32
    "tpu.region"() ({
      %run_scoped3A = tpu.sem_alloc : memref<!tpu.dma_semaphore, #tpu.memory_space<semaphore_mem>>
      %dma_start3A = arith.constant 0 : i32
      %dma_start3A_77 = tpu.memref_slice %arg4[%dma_start3A] : memref<3344xi32, #tpu.memory_space<vmem>> -> memref<3328xi32, #tpu.memory_space<vmem>>
      %dma_start3A_78 = tpu.memref_slice %arg2[%mul3A_9] : memref<106496xi32, #tpu.memory_space<hbm>> -> memref<3328xi32, #tpu.memory_space<hbm>>
      %dma_start3A_79 = arith.constant 0 : i32
      %dma_start3A_80 = tpu.memref_slice %arg4[%dma_start3A_79] : memref<3344xi32, #tpu.memory_space<vmem>> -> memref<3328xi32, #tpu.memory_space<vmem>>
      %dma_start3A_81 = tpu.memref_slice %arg2[%mul3A_9] : memref<106496xi32, #tpu.memory_space<hbm>> -> memref<3328xi32, #tpu.memory_space<hbm>>
      tpu.enqueue_dma source(%dma_start3A_81 : memref<3328xi32, #tpu.memory_space<hbm>>) target(%dma_start3A_80 : memref<3328xi32, #tpu.memory_space<vmem>>) target_semaphore(%run_scoped3A : memref<!tpu.dma_semaphore, #tpu.memory_space<semaphore_mem>>)
      %dma_wait3A_82 = arith.constant 0 : i32
      %dma_wait3A_83 = tpu.memref_slice %arg4[%dma_wait3A_82] : memref<3344xi32, #tpu.memory_space<vmem>> -> memref<3328xi32, #tpu.memory_space<vmem>>
      %dma_wait3A_84 = tpu.memref_slice %arg2[%mul3A_9] : memref<106496xi32, #tpu.memory_space<hbm>> -> memref<3328xi32, #tpu.memory_space<hbm>>
      %dma_wait3A_85 = arith.constant 0 : i32
      %dma_wait3A_86 = tpu.memref_slice %arg4[%dma_wait3A_85] : memref<3344xi32, #tpu.memory_space<vmem>> -> memref<3328xi32, #tpu.memory_space<vmem>>
      %dma_wait3A_87 = tpu.memref_slice %arg2[%mul3A_9] : memref<106496xi32, #tpu.memory_space<hbm>> -> memref<3328xi32, #tpu.memory_space<hbm>>
      tpu.wait_dma2 semaphore(%run_scoped3A : memref<!tpu.dma_semaphore, #tpu.memory_space<semaphore_mem>>) src(%dma_wait3A_87 : memref<3328xi32, #tpu.memory_space<hbm>>) dst(%dma_wait3A_86 : memref<3328xi32, #tpu.memory_space<vmem>>)
      tpu.yield
    }) : () -> ()
    %scan3A = arith.constant 0 : i32
    %scan3A_10 = arith.constant 0 : i32
    %scan3A_11 = arith.constant 52 : i32
    %scan3A_12 = arith.addi %scan3A_10, %scan3A_11 : i32
    %scan3A_13 = arith.constant 1 : i32
    %scan3A_14 = scf.for %scan3A_77 = %scan3A_10 to %scan3A_12 step %scan3A_13 iter_args(%scan3A_78 = %scan3A) -> (i32)  : i32 {
      %jit3A = arith.constant 26 : i32
      %div3A = arith.divsi %scan3A_77, %jit3A : i32
      %sign3A = arith.constant 0 : i32
      %sign3A_79 = arith.cmpi sgt, %scan3A_77, %sign3A : i32
      %sign3A_80 = arith.extui %sign3A_79 : i1 to i32
      %sign3A_81 = arith.constant 0 : i32
      %sign3A_82 = arith.cmpi slt, %scan3A_77, %sign3A_81 : i32
      %sign3A_83 = arith.extui %sign3A_82 : i1 to i32
      %sign3A_84 = arith.subi %sign3A_80, %sign3A_83 : i32
      %sign3A_85 = arith.constant 0 : i32
      %sign3A_86 = arith.cmpi sgt, %jit3A, %sign3A_85 : i32
      %sign3A_87 = arith.extui %sign3A_86 : i1 to i32
      %sign3A_88 = arith.constant 0 : i32
      %sign3A_89 = arith.cmpi slt, %jit3A, %sign3A_88 : i32
      %sign3A_90 = arith.extui %sign3A_89 : i1 to i32
      %sign3A_91 = arith.subi %sign3A_87, %sign3A_90 : i32
      %ne3A = arith.cmpi ne, %sign3A_84, %sign3A_91 : i32
      %rem3A = arith.remsi %scan3A_77, %jit3A : i32
      %ne3A_92 = arith.constant 0 : i32
      %ne3A_93 = arith.cmpi ne, %rem3A, %ne3A_92 : i32
      %and3A = arith.andi %ne3A, %ne3A_93 : i1
      %sub3A_94 = arith.constant 1 : i32
      %sub3A_95 = arith.subi %div3A, %sub3A_94 : i32
      %select_n3A = arith.select %and3A, %sub3A_95, %div3A : i32
      %mul3A_96 = arith.constant 26 : i32
      %mul3A_97 = arith.muli %select_n3A, %mul3A_96 : i32
      %sub3A_98 = arith.subi %scan3A_77, %mul3A_97 : i32
      %scan3A_99 = arith.constant 0 : i32
      %scan3A_100 = arith.constant 0 : i32
      %scan3A_101 = arith.constant 62 : i32
      %scan3A_102 = arith.addi %scan3A_100, %scan3A_101 : i32
      %scan3A_103 = arith.constant 1 : i32
      %scan3A_104 = scf.for %scan3A_110 = %scan3A_100 to %scan3A_102 step %scan3A_103 iter_args(%scan3A_111 = %scan3A_99) -> (i32)  : i32 {
        %mul3A_112 = arith.constant 16 : i32
        %mul3A_113 = arith.muli %scan3A_110, %mul3A_112 : i32
        %swap3A_114 = arith.index_cast %select_n3A : i32 to index
        %swap3A_115 = arith.index_cast %sub3A_98 : i32 to index
        %swap3A_116 = arith.index_cast %mul3A_113 : i32 to index
        %swap3A_117 = tpu.vector_load %arg5[%swap3A_114, %swap3A_115, %swap3A_116] {strides = array<i32>} : memref<2x26x1000xf32, #tpu.memory_space<vmem>>, vector<16xf32>,
        tpu.vector_store %arg5[%swap3A_114, %swap3A_115, %swap3A_116], %broadcast_in_dim3A_3 {strides = array<i32>} : memref<2x26x1000xf32, #tpu.memory_space<vmem>>, vector<16xf32>,
        %scan3A_118 = arith.constant 0 : i32
        scf.yield %scan3A_118 : i32
      }
      %scan3A_105 = arith.constant 62 : i32
      %swap3A = arith.index_cast %select_n3A : i32 to index
      %swap3A_106 = arith.index_cast %sub3A_98 : i32 to index
      %swap3A_107 = arith.constant 984 : index
      %swap3A_108 = tpu.vector_load %arg5[%swap3A, %swap3A_106, %swap3A_107] {strides = array<i32>} : memref<2x26x1000xf32, #tpu.memory_space<vmem>>, vector<16xf32>,
      tpu.vector_store %arg5[%swap3A, %swap3A_106, %swap3A_107], %broadcast_in_dim3A_3 {strides = array<i32>} : memref<2x26x1000xf32, #tpu.memory_space<vmem>>, vector<16xf32>,
      %scan3A_109 = arith.constant 0 : i32
      scf.yield %scan3A_109 : i32
    }
    %scan3A_15 = arith.constant 52 : i32
    %scan3A_16 = arith.constant 0 : i32
    %scan3A_17 = arith.constant 0 : i32
    %scan3A_18 = arith.constant 128 : i32
    %scan3A_19 = arith.addi %scan3A_17, %scan3A_18 : i32
    %scan3A_20 = arith.constant 1 : i32
    %scan3A_21 = scf.for %scan3A_77 = %scan3A_17 to %scan3A_19 step %scan3A_20 iter_args(%scan3A_78 = %scan3A_16) -> (i32)  : i32 {
      %rem3A = arith.constant 2 : i32
      %rem3A_79 = arith.remsi %scan3A_77, %rem3A : i32
      %mul3A_80 = arith.constant 128 : i32
      %mul3A_81 = arith.muli %add3A, %mul3A_80 : i32
      %add3A_82 = arith.addi %mul3A_81, %scan3A_77 : i32
      %ge3A = arith.constant 2 : i32
      %ge3A_83 = arith.cmpi sge, %scan3A_77, %ge3A : i32
      %convert_element_type3A = arith.extui %ge3A_83 : i1 to i32
      %cond3A = arith.constant 0 : i32
      %cond3A_84 = arith.cmpi ne, %convert_element_type3A, %cond3A : i32
      scf.if %cond3A_84 {
        %sub3A_120 = arith.constant 2 : i32
        %sub3A_121 = arith.subi %add3A_82, %sub3A_120 : i32
        %dma_wait3A_122 = arith.constant 0 : i32
        %dma_wait3A_123 = arith.constant 0 : i32
        %dma_wait3A_124 = tpu.memref_slice %arg5[%rem3A_79, %dma_wait3A_122, %dma_wait3A_123] : memref<2x26x1000xf32, #tpu.memory_space<vmem>> -> memref<1x26x1000xf32, #tpu.memory_space<vmem>>
        %dma_wait3A_125 = tpu.memref_squeeze %dma_wait3A_124 : memref<1x26x1000xf32, #tpu.memory_space<vmem>> -> memref<26x1000xf32, #tpu.memory_space<vmem>>
        %dma_wait3A_126 = arith.constant 0 : i32
        %dma_wait3A_127 = arith.constant 0 : i32
        %dma_wait3A_128 = tpu.memref_slice %arg3[%sub3A_121, %dma_wait3A_126, %dma_wait3A_127] : memref<4096x26x1000xf32, #tpu.memory_space<hbm>> -> memref<1x26x1000xf32, #tpu.memory_space<hbm>>
        %dma_wait3A_129 = tpu.memref_squeeze %dma_wait3A_128 : memref<1x26x1000xf32, #tpu.memory_space<hbm>> -> memref<26x1000xf32, #tpu.memory_space<hbm>>
        %dma_wait3A_130 = tpu.memref_slice %arg6[%rem3A_79] : memref<2x!tpu.dma_semaphore, #tpu.memory_space<semaphore_mem>> -> memref<1x!tpu.dma_semaphore, #tpu.memory_space<semaphore_mem>>
        %dma_wait3A_131 = tpu.memref_squeeze %dma_wait3A_130 : memref<1x!tpu.dma_semaphore, #tpu.memory_space<semaphore_mem>> -> memref<!tpu.dma_semaphore, #tpu.memory_space<semaphore_mem>>
        %dma_wait3A_132 = arith.constant 0 : i32
        %dma_wait3A_133 = arith.constant 0 : i32
        %dma_wait3A_134 = tpu.memref_slice %arg3[%sub3A_121, %dma_wait3A_132, %dma_wait3A_133] : memref<4096x26x1000xf32, #tpu.memory_space<hbm>> -> memref<1x26x1000xf32, #tpu.memory_space<hbm>>
        %dma_wait3A_135 = tpu.memref_squeeze %dma_wait3A_134 : memref<1x26x1000xf32, #tpu.memory_space<hbm>> -> memref<26x1000xf32, #tpu.memory_space<hbm>>
        %dma_wait3A_136 = arith.constant 0 : i32
        %dma_wait3A_137 = arith.constant 0 : i32
        %dma_wait3A_138 = tpu.memref_slice %arg5[%rem3A_79, %dma_wait3A_136, %dma_wait3A_137] : memref<2x26x1000xf32, #tpu.memory_space<vmem>> -> memref<1x26x1000xf32, #tpu.memory_space<vmem>>
        %dma_wait3A_139 = tpu.memref_squeeze %dma_wait3A_138 : memref<1x26x1000xf32, #tpu.memory_space<vmem>> -> memref<26x1000xf32, #tpu.memory_space<vmem>>
        tpu.wait_dma2 semaphore(%dma_wait3A_131 : memref<!tpu.dma_semaphore, #tpu.memory_space<semaphore_mem>>) src(%dma_wait3A_139 : memref<26x1000xf32, #tpu.memory_space<vmem>>) dst(%dma_wait3A_135 : memref<26x1000xf32, #tpu.memory_space<hbm>>)
        %sub3A_140 = arith.constant 2 : i32
        %sub3A_141 = arith.subi %scan3A_77, %sub3A_140 : i32
        %mul3A_142 = arith.constant 26 : i32
        %mul3A_143 = arith.muli %sub3A_141, %mul3A_142 : i32
        %get3A_144 = arith.index_cast %mul3A_143 : i32 to index
        %get3A_145 = tpu.vector_load %arg4[%get3A_144] {strides = array<i32>} : memref<3344xi32, #tpu.memory_space<vmem>>, vector<16xi32>,
        %add3A_146 = arith.constant 16 : i32
        %add3A_147 = arith.addi %mul3A_143, %add3A_146 : i32
        %get3A_148 = arith.index_cast %add3A_147 : i32 to index
        %get3A_149 = tpu.vector_load %arg4[%get3A_148] {strides = array<i32>} : memref<3344xi32, #tpu.memory_space<vmem>>, vector<16xi32>,
        %scatter3A_150 = arith.constant 0 : i32
        %scatter3A_151 = arith.constant 0 : i32
        %scatter3A_152 = tpu.memref_slice %arg5[%rem3A_79, %scatter3A_150, %scatter3A_151] : memref<2x26x1000xf32, #tpu.memory_space<vmem>> -> memref<1x26x1000xf32, #tpu.memory_space<vmem>>
        %scatter3A_153 = tpu.memref_squeeze %scatter3A_152 : memref<1x26x1000xf32, #tpu.memory_space<vmem>> -> memref<26x1000xf32, #tpu.memory_space<vmem>>
        tpu.vector_store_idx %scatter3A_153[%iota3A, %get3A_145], %broadcast_in_dim3A_3 : memref<26x1000xf32, #tpu.memory_space<vmem>>[vector<16xi32>, vector<16xi32>], vector<16xf32>,
        %add3A_154 = arith.constant 16 : i32
        %add3A_155 = vector.broadcast %add3A_154 : i32 to vector<16xi32>
        %add3A_156 = arith.addi %add3A_155, %iota3A : vector<16xi32>
        %scatter3A_157 = arith.constant 0 : i32
        %scatter3A_158 = arith.constant 0 : i32
        %scatter3A_159 = tpu.memref_slice %arg5[%rem3A_79, %scatter3A_157, %scatter3A_158] : memref<2x26x1000xf32, #tpu.memory_space<vmem>> -> memref<1x26x1000xf32, #tpu.memory_space<vmem>>
        %scatter3A_160 = tpu.memref_squeeze %scatter3A_159 : memref<1x26x1000xf32, #tpu.memory_space<vmem>> -> memref<26x1000xf32, #tpu.memory_space<vmem>>
        tpu.vector_store_idx %scatter3A_160[%add3A_156, %get3A_149], %broadcast_in_dim3A_3 masked %lt3A_5 : memref<26x1000xf32, #tpu.memory_space<vmem>>[vector<16xi32>, vector<16xi32>], vector<16xf32>, vector<16xi1>
      } else {
      }
      %mul3A_85 = arith.constant 26 : i32
      %mul3A_86 = arith.muli %scan3A_77, %mul3A_85 : i32
      %get3A = arith.index_cast %mul3A_86 : i32 to index
      %get3A_87 = tpu.vector_load %arg4[%get3A] {strides = array<i32>} : memref<3344xi32, #tpu.memory_space<vmem>>, vector<16xi32>,
      %add3A_88 = arith.constant 16 : i32
      %add3A_89 = arith.addi %mul3A_86, %add3A_88 : i32
      %get3A_90 = arith.index_cast %add3A_89 : i32 to index
      %get3A_91 = tpu.vector_load %arg4[%get3A_90] {strides = array<i32>} : memref<3344xi32, #tpu.memory_space<vmem>>, vector<16xi32>,
      %scatter3A = arith.constant 0 : i32
      %scatter3A_92 = arith.constant 0 : i32
      %scatter3A_93 = tpu.memref_slice %arg5[%rem3A_79, %scatter3A, %scatter3A_92] : memref<2x26x1000xf32, #tpu.memory_space<vmem>> -> memref<1x26x1000xf32, #tpu.memory_space<vmem>>
      %scatter3A_94 = tpu.memref_squeeze %scatter3A_93 : memref<1x26x1000xf32, #tpu.memory_space<vmem>> -> memref<26x1000xf32, #tpu.memory_space<vmem>>
      tpu.vector_store_idx %scatter3A_94[%iota3A, %get3A_87], %broadcast_in_dim3A_1 : memref<26x1000xf32, #tpu.memory_space<vmem>>[vector<16xi32>, vector<16xi32>], vector<16xf32>,
      %add3A_95 = arith.constant 16 : i32
      %add3A_96 = vector.broadcast %add3A_95 : i32 to vector<16xi32>
      %add3A_97 = arith.addi %add3A_96, %iota3A : vector<16xi32>
      %scatter3A_98 = arith.constant 0 : i32
      %scatter3A_99 = arith.constant 0 : i32
      %scatter3A_100 = tpu.memref_slice %arg5[%rem3A_79, %scatter3A_98, %scatter3A_99] : memref<2x26x1000xf32, #tpu.memory_space<vmem>> -> memref<1x26x1000xf32, #tpu.memory_space<vmem>>
      %scatter3A_101 = tpu.memref_squeeze %scatter3A_100 : memref<1x26x1000xf32, #tpu.memory_space<vmem>> -> memref<26x1000xf32, #tpu.memory_space<vmem>>
      tpu.vector_store_idx %scatter3A_101[%add3A_97, %get3A_91], %broadcast_in_dim3A_1 masked %lt3A_5 : memref<26x1000xf32, #tpu.memory_space<vmem>>[vector<16xi32>, vector<16xi32>], vector<16xf32>, vector<16xi1>
      %dma_start3A = arith.constant 0 : i32
      %dma_start3A_102 = arith.constant 0 : i32
      %dma_start3A_103 = tpu.memref_slice %arg5[%rem3A_79, %dma_start3A, %dma_start3A_102] : memref<2x26x1000xf32, #tpu.memory_space<vmem>> -> memref<1x26x1000xf32, #tpu.memory_space<vmem>>
      %dma_start3A_104 = tpu.memref_squeeze %dma_start3A_103 : memref<1x26x1000xf32, #tpu.memory_space<vmem>> -> memref<26x1000xf32, #tpu.memory_space<vmem>>
      %dma_start3A_105 = arith.constant 0 : i32
      %dma_start3A_106 = arith.constant 0 : i32
      %dma_start3A_107 = tpu.memref_slice %arg3[%add3A_82, %dma_start3A_105, %dma_start3A_106] : memref<4096x26x1000xf32, #tpu.memory_space<hbm>> -> memref<1x26x1000xf32, #tpu.memory_space<hbm>>
      %dma_start3A_108 = tpu.memref_squeeze %dma_start3A_107 : memref<1x26x1000xf32, #tpu.memory_space<hbm>> -> memref<26x1000xf32, #tpu.memory_space<hbm>>
      %dma_start3A_109 = tpu.memref_slice %arg6[%rem3A_79] : memref<2x!tpu.dma_semaphore, #tpu.memory_space<semaphore_mem>> -> memref<1x!tpu.dma_semaphore, #tpu.memory_space<semaphore_mem>>
      %dma_start3A_110 = tpu.memref_squeeze %dma_start3A_109 : memref<1x!tpu.dma_semaphore, #tpu.memory_space<semaphore_mem>> -> memref<!tpu.dma_semaphore, #tpu.memory_space<semaphore_mem>>
      %dma_start3A_111 = arith.constant 0 : i32
      %dma_start3A_112 = arith.constant 0 : i32
      %dma_start3A_113 = tpu.memref_slice %arg3[%add3A_82, %dma_start3A_111, %dma_start3A_112] : memref<4096x26x1000xf32, #tpu.memory_space<hbm>> -> memref<1x26x1000xf32, #tpu.memory_space<hbm>>
      %dma_start3A_114 = tpu.memref_squeeze %dma_start3A_113 : memref<1x26x1000xf32, #tpu.memory_space<hbm>> -> memref<26x1000xf32, #tpu.memory_space<hbm>>
      %dma_start3A_115 = arith.constant 0 : i32
      %dma_start3A_116 = arith.constant 0 : i32
      %dma_start3A_117 = tpu.memref_slice %arg5[%rem3A_79, %dma_start3A_115, %dma_start3A_116] : memref<2x26x1000xf32, #tpu.memory_space<vmem>> -> memref<1x26x1000xf32, #tpu.memory_space<vmem>>
      %dma_start3A_118 = tpu.memref_squeeze %dma_start3A_117 : memref<1x26x1000xf32, #tpu.memory_space<vmem>> -> memref<26x1000xf32, #tpu.memory_space<vmem>>
      tpu.enqueue_dma source(%dma_start3A_118 : memref<26x1000xf32, #tpu.memory_space<vmem>>) target(%dma_start3A_114 : memref<26x1000xf32, #tpu.memory_space<hbm>>) target_semaphore(%dma_start3A_110 : memref<!tpu.dma_semaphore, #tpu.memory_space<semaphore_mem>>)
      %scan3A_119 = arith.constant 0 : i32
      scf.yield %scan3A_119 : i32
    }
    %scan3A_22 = arith.constant 128 : i32
    %mul3A_23 = arith.constant 128 : i32
    %mul3A_24 = arith.muli %add3A, %mul3A_23 : i32
    %add3A_25 = arith.constant 128 : i32
    %add3A_26 = arith.addi %mul3A_24, %add3A_25 : i32
    %sub3A = arith.constant 2 : i32
    %sub3A_27 = arith.subi %add3A_26, %sub3A : i32
    %add3A_28 = arith.constant 0 : i32
    %add3A_29 = arith.addi %sub3A_27, %add3A_28 : i32
    %dma_wait3A = arith.constant 0 : i32
    %dma_wait3A_30 = arith.constant 0 : i32
    %dma_wait3A_31 = arith.constant 0 : i32
    %dma_wait3A_32 = arith.constant 0 : i32
    %dma_wait3A_33 = tpu.memref_slice %arg5[%dma_wait3A, %dma_wait3A_31, %dma_wait3A_32] : memref<2x26x1000xf32, #tpu.memory_space<vmem>> -> memref<1x26x1000xf32, #tpu.memory_space<vmem>>
    %dma_wait3A_34 = tpu.memref_squeeze %dma_wait3A_33 : memref<1x26x1000xf32, #tpu.memory_space<vmem>> -> memref<26x1000xf32, #tpu.memory_space<vmem>>
    %dma_wait3A_35 = arith.constant 0 : i32
    %dma_wait3A_36 = arith.constant 0 : i32
    %dma_wait3A_37 = tpu.memref_slice %arg3[%add3A_29, %dma_wait3A_35, %dma_wait3A_36] : memref<4096x26x1000xf32, #tpu.memory_space<hbm>> -> memref<1x26x1000xf32, #tpu.memory_space<hbm>>
    %dma_wait3A_38 = tpu.memref_squeeze %dma_wait3A_37 : memref<1x26x1000xf32, #tpu.memory_space<hbm>> -> memref<26x1000xf32, #tpu.memory_space<hbm>>
    %dma_wait3A_39 = tpu.memref_slice %arg6[%dma_wait3A_30] : memref<2x!tpu.dma_semaphore, #tpu.memory_space<semaphore_mem>> -> memref<1x!tpu.dma_semaphore, #tpu.memory_space<semaphore_mem>>
    %dma_wait3A_40 = tpu.memref_squeeze %dma_wait3A_39 : memref<1x!tpu.dma_semaphore, #tpu.memory_space<semaphore_mem>> -> memref<!tpu.dma_semaphore, #tpu.memory_space<semaphore_mem>>
    %dma_wait3A_41 = arith.constant 0 : i32
    %dma_wait3A_42 = arith.constant 0 : i32
    %dma_wait3A_43 = tpu.memref_slice %arg3[%add3A_29, %dma_wait3A_41, %dma_wait3A_42] : memref<4096x26x1000xf32, #tpu.memory_space<hbm>> -> memref<1x26x1000xf32, #tpu.memory_space<hbm>>
    %dma_wait3A_44 = tpu.memref_squeeze %dma_wait3A_43 : memref<1x26x1000xf32, #tpu.memory_space<hbm>> -> memref<26x1000xf32, #tpu.memory_space<hbm>>
    %dma_wait3A_45 = arith.constant 0 : i32
    %dma_wait3A_46 = arith.constant 0 : i32
    %dma_wait3A_47 = tpu.memref_slice %arg5[%dma_wait3A, %dma_wait3A_45, %dma_wait3A_46] : memref<2x26x1000xf32, #tpu.memory_space<vmem>> -> memref<1x26x1000xf32, #tpu.memory_space<vmem>>
    %dma_wait3A_48 = tpu.memref_squeeze %dma_wait3A_47 : memref<1x26x1000xf32, #tpu.memory_space<vmem>> -> memref<26x1000xf32, #tpu.memory_space<vmem>>
    tpu.wait_dma2 semaphore(%dma_wait3A_40 : memref<!tpu.dma_semaphore, #tpu.memory_space<semaphore_mem>>) src(%dma_wait3A_48 : memref<26x1000xf32, #tpu.memory_space<vmem>>) dst(%dma_wait3A_44 : memref<26x1000xf32, #tpu.memory_space<hbm>>)
    %mul3A_49 = arith.constant 128 : i32
    %mul3A_50 = arith.muli %add3A, %mul3A_49 : i32
    %add3A_51 = arith.constant 128 : i32
    %add3A_52 = arith.addi %mul3A_50, %add3A_51 : i32
    %sub3A_53 = arith.constant 2 : i32
    %sub3A_54 = arith.subi %add3A_52, %sub3A_53 : i32
    %add3A_55 = arith.constant 1 : i32
    %add3A_56 = arith.addi %sub3A_54, %add3A_55 : i32
    %dma_wait3A_57 = arith.constant 1 : i32
    %dma_wait3A_58 = arith.constant 1 : i32
    %dma_wait3A_59 = arith.constant 0 : i32
    %dma_wait3A_60 = arith.constant 0 : i32
    %dma_wait3A_61 = tpu.memref_slice %arg5[%dma_wait3A_57, %dma_wait3A_59, %dma_wait3A_60] : memref<2x26x1000xf32, #tpu.memory_space<vmem>> -> memref<1x26x1000xf32, #tpu.memory_space<vmem>>
    %dma_wait3A_62 = tpu.memref_squeeze %dma_wait3A_61 : memref<1x26x1000xf32, #tpu.memory_space<vmem>> -> memref<26x1000xf32, #tpu.memory_space<vmem>>
    %dma_wait3A_63 = arith.constant 0 : i32
    %dma_wait3A_64 = arith.constant 0 : i32
    %dma_wait3A_65 = tpu.memref_slice %arg3[%add3A_56, %dma_wait3A_63, %dma_wait3A_64] : memref<4096x26x1000xf32, #tpu.memory_space<hbm>> -> memref<1x26x1000xf32, #tpu.memory_space<hbm>>
    %dma_wait3A_66 = tpu.memref_squeeze %dma_wait3A_65 : memref<1x26x1000xf32, #tpu.memory_space<hbm>> -> memref<26x1000xf32, #tpu.memory_space<hbm>>
    %dma_wait3A_67 = tpu.memref_slice %arg6[%dma_wait3A_58] : memref<2x!tpu.dma_semaphore, #tpu.memory_space<semaphore_mem>> -> memref<1x!tpu.dma_semaphore, #tpu.memory_space<semaphore_mem>>
    %dma_wait3A_68 = tpu.memref_squeeze %dma_wait3A_67 : memref<1x!tpu.dma_semaphore, #tpu.memory_space<semaphore_mem>> -> memref<!tpu.dma_semaphore, #tpu.memory_space<semaphore_mem>>
    %dma_wait3A_69 = arith.constant 0 : i32
    %dma_wait3A_70 = arith.constant 0 : i32
    %dma_wait3A_71 = tpu.memref_slice %arg3[%add3A_56, %dma_wait3A_69, %dma_wait3A_70] : memref<4096x26x1000xf32, #tpu.memory_space<hbm>> -> memref<1x26x1000xf32, #tpu.memory_space<hbm>>
    %dma_wait3A_72 = tpu.memref_squeeze %dma_wait3A_71 : memref<1x26x1000xf32, #tpu.memory_space<hbm>> -> memref<26x1000xf32, #tpu.memory_space<hbm>>
    %dma_wait3A_73 = arith.constant 0 : i32
    %dma_wait3A_74 = arith.constant 0 : i32
    %dma_wait3A_75 = tpu.memref_slice %arg5[%dma_wait3A_57, %dma_wait3A_73, %dma_wait3A_74] : memref<2x26x1000xf32, #tpu.memory_space<vmem>> -> memref<1x26x1000xf32, #tpu.memory_space<vmem>>
    %dma_wait3A_76 = tpu.memref_squeeze %dma_wait3A_75 : memref<1x26x1000xf32, #tpu.memory_space<vmem>> -> memref<26x1000xf32, #tpu.memory_space<vmem>>
    tpu.wait_dma2 semaphore(%dma_wait3A_68 : memref<!tpu.dma_semaphore, #tpu.memory_space<semaphore_mem>>) src(%dma_wait3A_76 : memref<26x1000xf32, #tpu.memory_space<vmem>>) dst(%dma_wait3A_72 : memref<26x1000xf32, #tpu.memory_space<hbm>>)
    return
  }
}

</mosaic_0001>

<sc_bundles>
// kernel: kernel.3.cloned.1.call-start
scs
__scs_entry_jumppad:
0x0: {  	(pc) =	sbr.rel $0x88, $3  }
0x1: {  	(tag) =	ssettag $0x0;
	lr =	simm.s32 $0x1  }
0x2: {  	[smem:$0x3FA0] =	sst lr;
	_ =	strace $0xD0000000  }
0x3: {  	_ = 	snop  }
0x4: {  	_ = 	snop  }
0x5: {  	_ = 	snop  }
0x6: {  	_ = 	snop  }
0x7: {  	_ = 	snop  }
__scs_overlays_trampoline_lowered:
0x8: {  	[smem:$0x3FAF] =	sst s0  }
0x9: {  	[smem:$0x3FB0] =	sst s1  }
0xa: {  	[smem:$0x3FB1] =	sst s2  }
0xb: {  	[smem:$0x3FB2] =	sst s3  }
0xc: {  	[smem:$0x3FB3] =	sst s4  }
0xd: {  	[smem:$0x3FB4] =	sst s5  }
0xe: {  	[smem:$0x3FB5] =	sst s6  }
0xf: {  	[smem:$0x3FB6] =	sst s7  }
0x10: {  	[smem:$0x3FB7] =	sst s8  }
0x11: {  	[smem:$0x3FB8] =	sst s9;
	s0 =	simm.s32 @!p0 $0x0  }
0x12: {  	s1 =	sld [smem:$0x3F9E];
	s0 =	simm.s32 @p0 $0x1  }
0x13: {  	[smem:$0x3FB9] =	sst s0;
	s0 =	simm.s32 @!p1 $0x0  }
0x14: {  	s2 =	sld [smem:$0x3F9D];
	s0 =	simm.s32 @p1 $0x1  }
0x15: {  	[smem:$0x3FBA] =	sst s0;
	s0 =	simm.s32 @!p2 $0x0  }
0x16: {  	s3 =	sld [smem:$0x3FDB];
	s0 =	simm.s32 @p2 $0x1  }
0x17: {  	s4 =	simm.s32 $0x1BF5;
	[smem:$0x3FBC] =	sst s0  }
0x18: {  	s0 =	sld [smem:$0x3F9F];
	_ =	swait.ge [sflag:s4], $0x0  }
0x19: {  	s7 =	sld [smem:$0x3FA0]  }
0x1a: {  	s8 =	sadd.s32 $0xFFFFE003, lr  }
0x1b: {  	s9 =	sadd.s32 $0xFFFFFEF7, lr;
	s5 =	simm.s32 $0xFFFFFFFF;
	p2 =	slt.u32 s8, $0xFFFFF086  }
0x1c: {  	p1 =	slt.u32 s9, $0xF7A;
	s5 =	simm.s32 @!p2 $0x0  }
0x1d: {  	s5 =	simm.s32 @p1 $0x1;
	p0 =	seq.s32 s7, s2  }
0x1e: {  	s7 =	smul.u32 @!p0 $0xF7A, s2;
	p2 =	seq.s32 @!p0 s5, $0x0  }
0x1f: {  	s9 =	smul.u32 $0xF7A, s1;
	s8 =	simm.s32 @!p0 $0x1BF5;
	p2 =	por !p2, p0  }
0x20: {  	[sflag:s8] =	ssyncset.s32 @!p0 $0xFFFFF086;
	s6 =	sadd.s32 @!p0 s3, s7;
	s7 =	simm.s32 @!p0 $0x108  }
0x21: {  	s3 =	sadd.s32 s3, s9;
	s6 =	sadd.s32 @!p0 $0x88, s6;
	s7 =	simm.s32 @p2 $0x1082  }
0x22: {  	[simem:s7], [sflag:s8] =	dma.local @!p0 [hbm:s6], $0xF7A  }
0x23: {  	s9 =	sor.u32 $0xD0000000, s2;
	s6 =	simm.s32 $0x108;
	_ =	swait.ge @!p0 [sflag:s8], $0x0  }
0x24: {  	s3 =	sadd.s32 $0x88, s3;
	s6 =	simm.s32 @!p1 $0x1082;
	[sflag:s4] =	ssyncset.s32 $0xFFFFF086  }
0x25: {  	[simem:s6], [sflag:s4] =	dma.local [hbm:s3], $0xF7A  }
0x26: {  	[smem:$0x3FA0] =	sst s1;
	(tag) =	ssettag s2;
	_ =	strace s9  }
0x27: {  	s1 =	sld [smem:$0x3FB0]  }
0x28: {  	s2 =	sld [smem:$0x3FB1]  }
0x29: {  	s4 =	sld [smem:$0x3FB3]  }
0x2a: {  	p0 =	seq.s32 s5, $0x0;
	s5 =	sld [smem:$0x3FB4]  }
0x2b: {  	s6 =	sld [smem:$0x3FB5]  }
0x2c: {  	s7 =	sld [smem:$0x3FB6]  }
0x2d: {  	s3 =	simm.s32 $0x108;
	s8 =	sld [smem:$0x3FB7]  }
0x2e: {  	s3 =	simm.s32 @!p0 $0x1082;
	s9 =	sld [smem:$0x3FB8]  }
0x2f: {  	lr =	sadd.s32 s0, s3;
	s0 =	sld [smem:$0x3FAF]  }
0x30: {  	s3 =	sld [smem:$0x3FB2]  }
0x31: {  	[smem:$0x3FBB] =	sst s10  }
0x32: {  	s10 =	sld [smem:$0x3FB9];
	_ =	sdelay $0x3  }
0x33: {  	p0 =	seq.s32 s10, $0x1;
	s10 =	sld [smem:$0x3FBB];
	_ =	sdelay $0x3  }
0x34: {  	[smem:$0x3FBB] =	sst s10  }
0x35: {  	s10 =	sld [smem:$0x3FBA];
	_ =	sdelay $0x3  }
0x36: {  	p1 =	seq.s32 s10, $0x1;
	s10 =	sld [smem:$0x3FBB];
	_ =	sdelay $0x3  }
0x37: {  	[smem:$0x3FBB] =	sst s10  }
0x38: {  	s10 =	sld [smem:$0x3FBC]  }
0x39: {  	_ = 	snop;
	(pc) =	sbr.ind lr, $3  }
0x3a: {  	_ = 	snop  }
0x3b: {  	_ = 	snop  }
0x3c: {  	p2 =	seq.s32 s10, $0x1;
	s10 =	sld [smem:$0x3FBB]  }
0x3d: {  	_ =	shalt  }
0x3e: {  	_ =	shalt  }
0x3f: {  	_ =	shalt  }
0x40: {  	_ =	shalt  }
0x41: {  	_ =	shalt  }
0x42: {  	_ =	shalt  }
0x43: {  	_ =	shalt  }
0x44: {  	_ =	shalt  }
0x45: {  	_ =	shalt  }
0x46: {  	_ =	shalt  }
0x47: {  	_ =	shalt  }
0x48: {  	_ =	shalt  }
0x49: {  	_ =	shalt  }
0x4a: {  	_ =	shalt  }
0x4b: {  	_ =	shalt  }
0x4c: {  	_ =	shalt  }
0x4d: {  	_ =	shalt  }
0x4e: {  	_ =	shalt  }
0x4f: {  	_ =	shalt  }
0x50: {  	_ =	shalt  }
0x51: {  	_ =	shalt  }
0x52: {  	_ =	shalt  }
0x53: {  	_ =	shalt  }
0x54: {  	_ =	shalt  }
0x55: {  	_ =	shalt  }
0x56: {  	_ =	shalt  }
0x57: {  	_ =	shalt  }
0x58: {  	_ =	shalt  }
0x59: {  	_ =	shalt  }
0x5a: {  	_ =	shalt  }
0x5b: {  	_ =	shalt  }
0x5c: {  	_ =	shalt  }
0x5d: {  	_ =	shalt  }
0x5e: {  	_ =	shalt  }
0x5f: {  	_ =	shalt  }
0x60: {  	_ =	shalt  }
0x61: {  	_ =	shalt  }
0x62: {  	_ =	shalt  }
0x63: {  	_ =	shalt  }
0x64: {  	_ =	shalt  }
0x65: {  	_ =	shalt  }
0x66: {  	_ =	shalt  }
0x67: {  	_ =	shalt  }
0x68: {  	_ =	shalt  }
0x69: {  	_ =	shalt  }
0x6a: {  	_ =	shalt  }
0x6b: {  	_ =	shalt  }
0x6c: {  	_ =	shalt  }
0x6d: {  	_ =	shalt  }
0x6e: {  	_ =	shalt  }
0x6f: {  	_ =	shalt  }
0x70: {  	_ =	shalt  }
0x71: {  	_ =	shalt  }
0x72: {  	_ =	shalt  }
0x73: {  	_ =	shalt  }
0x74: {  	_ =	shalt  }
0x75: {  	_ =	shalt  }
0x76: {  	_ =	shalt  }
0x77: {  	_ =	shalt  }
0x78: {  	_ =	shalt  }
0x79: {  	_ =	shalt  }
0x7a: {  	_ =	shalt  }
0x7b: {  	_ =	shalt  }
0x7c: {  	_ =	shalt  }
0x7d: {  	_ =	shalt  }
0x7e: {  	_ =	shalt  }
0x7f: {  	_ =	shalt  }
0x80: {  	_ =	shalt  }
0x81: {  	_ =	shalt  }
0x82: {  	_ =	shalt  }
0x83: {  	_ =	shalt  }
0x84: {  	_ =	shalt  }
0x85: {  	_ =	shalt  }
0x86: {  	_ =	shalt  }
0x87: {  	_ =	shalt  }
.Lfunc_end0:
.L_simem_size_0:
called_computation_lowered:
.L_overlay_start_0:
0x88: {  	s2 =	sld [smem:$0x3FD9]  }
0x89: {  	s3 =	sld [smem:$0x3FFE];
	_ =	sdelay $0x1  }
0x8a: {  	s1 =	srdreg.scid  }
0x8b: {  	s0 =	sand.u32 $0x1, s1  }
0x8c: {  	s17 =	sshll.u32 s0, $0xA;
	s2 =	sadd.s32 s3, s2  }
0x8d: {  	s2 =	sadd.s32 s2, s17  }
0x8e: {  	[smem:$0x3FC7] =	sst s2  }
0x8f: {  	_ = 	snop  }
0x90: {  	s2 =	sld [smem:$0x3FD0];
	(tm) =	ssettm $0x1  }
0x91: {  	s18 =	sld [smem:$0x3FFB];
	_ =	sdelay $0x3  }
0x92: {  	_ =	strace s18  }
0x93: {  	s3 =	sld [smem:$0x3FFC];
	_ =	sdelay $0x3  }
0x94: {  	_ =	strace s3  }
0x95: {  	s3 =	sld [smem:$0x3FFD];
	_ =	sdelay $0x3  }
0x96: {  	_ =	strace s3  }
0x97: {  	_ =	strace $0x8FFFFFFF  }
0x98: {  	s19 =	sld [smem:$0x3FDB];
	_ =	sdelay $0x1  }
0x99: {  	s4 =	simm.s32 $_scs_section_size  }
0x9a: {  	s5 =	simm.s32 $_size__tile_overlayer_lowered;
	s6 =	simm.s32 $_tile_overlayer_lowered  }
0x9b: {  	s22 =	simm.s32 $0x1BFF;
	s21 =	sshll.u32 s6, $0x1;
	s3 =	sadd.s32 s4, s19  }
0x9c: {  	s7 =	simm.s32 $0x0;
	s20 =	sshll.u32 s5, $0x1;
	s5 =	sadd.s32 s21, s3  }
0x9d: {  	[timem:s7], [sflag:s22] =	dma.local [hbm:s5], s20  }
0x9e: {  	_ =	swait.ge [sflag:s22], s20  }
0x9f: {  	s4 =	ssub.s32 $0x0, s20;
	[sflag:s22] =	ssyncset.done $0x0  }
0xa0: {  	[sflag:s22] =	ssyncadd.s32 s4;
	_ =	sdelay $0x1  }
0xa1: {  	s23 =	simm.s32 $0x1B8B  }
0xa2: {  	_ =	swait.ge [sflag:s23], $0x1  }
0xa3: {  	[sflag:s23] =	ssyncset.done $0x0  }
0xa4: {  	s25 =	simm.s32 $0x1B8E;
	s24 =	sld [smem:$0x3FFE];
	[sflag:s23] =	ssyncadd.s32 $0xFFFFFFFF  }
0xa5: {  	s26 =	simm.s32 $execute0_lowered;
	[smem:$0x3FD2] =	sst s25  }
0xa6: {  	s5 =	sshll.u32 s26, $0x1;
	_ =	strace $0x80000046;
	[dreg:$0x1] =	wrdreg $0xFFFFFFFF  }
0xa7: {  	s28 =	simm.s32 $_size_execute0_lowered;
	s3 =	sadd.s32 s3, s5;
	[dreg:$0x0] =	wrdreg $0x0  }
0xa8: {  	s5 =	sshll.u32 s28, $0x1;
	[dreg:$0x2] =	wrdreg s3  }
0xa9: {  	[dreg:$0x3] =	wrdreg s5  }
0xaa: {  	[dreg:$0x4] =	wrdreg $0xC0  }
0xab: {  	_ =	task [dreg:s7], $0x5FFFF  }
0xac: {  	[dreg:$0x1] =	wrdreg $0xFFFFFFFF  }
0xad: {  	[dreg:$0x0] =	wrdreg $0x60  }
0xae: {  	[dreg:$0x2] =	wrdreg s2  }
0xaf: {  	[dreg:$0x3] =	wrdreg s24  }
0xb0: {  	[dreg:$0x4] =	wrdreg $0x9  }
0xb1: {  	_ =	task.clear_ibuf [dreg:s7], $0x5FFFF;
	_ =	strace $0x90000046  }
0xb2: {  	s29 =	simm.s32 $0x9;
	_ =	strace $0x80000048  }
0xb3: {  	_ =	swait.ge [sflag:s29], $0x1  }
0xb4: {  	[sflag:s29] =	ssyncadd.s32 $0xFFFFFFFF  }
0xb5: {  	_ =	strace $0x90000048  }
0xb6: {  	_ =	sfence  }
0xb7: {  	s30 =	sld [smem:$0x0];
	_ =	sdelay $0x2  }
0xb8: {  	s31 =	sshll.u32 s1, $0xD;
	s1 =	sshrl.u32 s1, $0x2  }
0xb9: {  	s3 =	sand.u32 $0x4000, s31;
	s1 =	sadd.s32 s1, s30  }
0xba: {  	s0 =	sor.u32 s3, s0;
	s1 =	sshll.u32 s1, $0x11  }
0xbb: {  	s0 =	sor.u32 s1, s0  }
0xbc: {  	s0 =	sadd.s32 $0x8F2B, s0  }
0xbd: {  	[sflag:s0] =	ssyncadd.remote.s32 $0x1  }
0xbe: {  	_ =	sfence.sel $0xFFFF  }
0xbf: {  	[dreg:$0x0] =	wrdreg $0xFFFFFFFF;
	(pc) =	sbr.abs _section_cstart, $3  }
0xc0: {  	[dreg:$0x1] =	wrdreg $0xFFFFFFFF  }
0xc1: {  	_ =	task.clear_ibuf [dreg:s7], $0x2FFFF;
	_ =	strace $0x9FFFFFFF  }
0xc2: {  	(tm) =	ssettm $0x7FFFFFFF  }
0xc3: {  	_ =	shalt  }
tec
execute0_lowered:
.L_overlay_start_1:
0x0: {  	(tag) =	ssettag $0x1  }
0x1: {  	v0 =	vimm.f32 $0.0e+00  }
0x2: {  	v1 =	vimm.s32 $0x2380;
	vm0 =	vcmask $0x300;
	v2 =	vimm.s32 $0x6380  }
0x3: {  	vm1 =	vcmask $0x704;
	v1 =	vsel vm0, $0x0, v1;
	v2 =	vsel vm0, $0x4000, v2  }
0x4: {  	vm15 =	vcmask $0xB08;
	v1 =	vsel vm1, $0x80, v1;
	v2 =	vsel vm1, $0x4080, v2  }
0x5: {  	vm4 =	vcmask $0xF0C;
	v1 =	vsel vm15, $0x100, v1;
	v2 =	vsel vm15, $0x4100, v2  }
0x6: {  	s3 =	rddreg [dreg:$0x0];
	vm5 =	vcmask $0x1310;
	v1 =	vsel vm4, $0x180, v1;
	v2 =	vsel vm4, $0x4180, v2  }
0x7: {  	s4 =	rddreg [dreg:$0x1];
	vm6 =	vcmask $0x1714;
	v1 =	vsel vm5, $0x200, v1;
	v2 =	vsel vm5, $0x4200, v2  }
0x8: {  	s0 =	rddreg [dreg:$0x2];
	s1 =	simm.s32 $0x0;
	s2 =	srdreg.scid;
	vm7 =	vcmask $0x1B18;
	v1 =	vsel vm6, $0x280, v1;
	v2 =	vsel vm6, $0x4280, v2  }
0x9: {  	vm8 =	vcmask $0x1F1C;
	s10 =	simm.s32 $0x8D80;
	s11 =	simm.s32 $0x1;
	s12 =	simm.s32 $0x2;
	v1 =	vsel vm7, $0x300, v1;
	v2 =	vsel vm7, $0x4300, v2  }
0xa: {  	vm9 =	vcmask $0x2320;
	s13 =	simm.s32 $0x0;
	[smem:$0x7FF] =	sst s1;
	s5 =	sand.u32 $0x1, s2;
	v1 =	vsel vm8, $0x380, v1;
	v2 =	vsel vm8, $0x4380, v2  }
0xb: {  	vm10 =	vcmask $0x2724;
	s2 =	stileid.u32;
	s4 =	sadd.s32 $0x400, s4;
	_ =	strace $0x80000047;
	v1 =	vsel vm9, $0x2000, v1;
	v2 =	vsel vm9, $0x6000, v2  }
0xc: {  	vm11 =	vcmask $0x2B28;
	s6 =	ssub.s32 $0x2, s5;
	s7 =	sshll.u32 s5, $0x4;
	s5 =	sshll.u32 s5, $0x17;
	v1 =	vsel vm10, $0x2080, v1;
	v2 =	vsel vm10, $0x6080, v2  }
0xd: {  	vm12 =	vcmask $0x2F2C;
	s9 =	sshll.u32 s2, $0x13;
	s8 =	sshrl.u32 s6, $0x1;
	s7 =	sor.u32 s2, s7;
	v1 =	vsel vm11, $0x2100, v1;
	v2 =	vsel vm11, $0x6100, v2  }
0xe: {  	vm13 =	vcmask $0x3330;
	s5 =	sadd.s32 s5, s4;
	s6 =	ssub.s32 s6, s8;
	s30 =	smul.u32 $0x1A0, s7;
	v1 =	vsel vm12, $0x2180, v1;
	v2 =	vsel vm12, $0x6180, v2  }
0xf: {  	vm14 =	vcmask $0x3734;
	s7 =	sshll.u32 s7, $0x13;
	s31 =	sadd.s32 s9, s5;
	s8 =	simm.s32 $0x3;
	v1 =	vsel vm13, $0x2200, v1;
	v2 =	vsel vm13, $0x6200, v2  }
0x10: {  	vm15 =	vcmask $0x3B38;
	s9 =	simm.s32 $0xD80;
	s4 =	sadd.s32 s4, s7;
	s5 =	smax.u32 s6, $0x1;
	v1 =	vsel vm14, $0x2280, v1;
	v3 =	vsel vm14, $0x6280, v2  }
0x11: {  	s7 =	sadd.s32 $0x2000, s31;
	s3 =	sadd.s32 s3, s30;
	s6 =	sadd.s32 $0x1000, s4;
	v2 =	vimm.f32 $1.000000000e+00;
	v1 =	vsel vm15, $0x2300, v1;
	v3 =	vsel vm15, $0x6300, v3  }
.LBB2_1:
0x12: {  	[tilespmem:s1], [sflag:$0x3] =	stream.linear.gather [hbm4b:s3+s1], $0xD00, $0x38;
	[tilespmem:$0x10D80] =	vst v63  }
0x13: {  	_ =	swait.ge [sflag:s8], $0xD00  }
0x14: {  	[sflag:s8] =	ssyncset.done $0x0  }
0x15: {  	s14 =	simm.s32 $0x0;
	[sflag:s8] =	ssyncadd.s32 $0xFFFFF300  }
.LBB2_2:
0x16: {  	p0 =	sgt.u32 s14, $0x19;
	s15 =	simm.s32 $0xFFFFFFE6  }
0x17: {  	s15 =	simm.s32 @!p0 $0x0  }
0x18: {  	s15 =	sadd.s32 s14, s15  }
0x19: {  	s17 =	simm.s32 $0x8000;
	s16 =	sshll.u32 s15, $0xA  }
0x1a: {  	s17 =	simm.s32 @!p0 $0x0;
	s15 =	sshll.u32 s15, $0x7;
	s16 =	sand.u32 $0xFFFFE000, s16  }
0x1b: {  	s15 =	sand.u32 $0x380, s15;
	s16 =	sadd.s32 s16, s17  }
0x1c: {  	s15 =	sor.u32 s16, s15;
	s16 =	simm.s32 $0x0  }
0x1d: {  	s15 =	sadd.s32 $0xD80, s15;
	s31 =	sand.u32 $0x1C00, s16  }
0x1e: {  	s18 =	sand.u32 $0x70, s16;
	s19 =	sadd.s32 s31, s15  }
0x1f: {  	s17 =	simm.s32 $0x10;
	s18 =	sadd.s32 s18, s19  }
.LBB2_3:
0x20: {  	p0 =	sne.s32 s17, $0x3D0  }
0x21: {  	[tilespmem:s18+$0x0] =	vst v0;
	s16 =	sadd.s32 $0x80, s16;
	s18 =	smov.u32 s17;
	s17 =	sadd.s32 $0x10, s17  }
.Ltmp0:
0x22: {  	(pc) =	sbr.rel @p0 .LBB2_3-.Ltmp0, $4  }
0x23: {  	_ = 	snop  }
0x24: {  	s19 =	sand.u32 $0x1C00, s16  }
0x25: {  	s18 =	sand.u32 $0x70, s18;
	s19 =	sadd.s32 s19, s15  }
0x26: {  	s18 =	sadd.s32 s18, s19  }
0x27: {  	s14 =	sadd.s32 $0x1, s14  }
0x28: {  	p0 =	sne.s32 s14, $0x34  }
.Ltmp1:
0x29: {  	_ = 	snop;
	(pc) =	sbr.rel @p0 .LBB2_2-.Ltmp1, $3  }
0x2a: {  	_ =	sdelay $0x1  }
0x2b: {  	[tilespmem:s18+$0x0] =	vst v0  }
0x2c: {  	[tilespmem:s15+$0x1C58] =	vst v0  }
0x2d: {  	v4 =	vld [tilespmem:$0x0]  }
0x2e: {  	v5 =	vld [tilespmem:$0x10];
	_ =	sdelay $0x3  }
0x2f: {  	v6 =	vshll.u32 v4, $0x3  }
0x30: {  	v4 =	vand.u32 $0x7F, v4;
	v7 =	vshll.u32 v5, $0x3;
	v6 =	vand.u32 $0xFFFFFC00, v6  }
0x31: {  	v5 =	vand.u32 $0x7F, v5;
	v60 =	vand.u32 $0xFFFFFC00, v7;
	v4 =	vor.u32 v4, v6  }
0x32: {  	v5 =	vor.u32 v5, v60;
	v4 =	vadd.s32 v1, v4  }
0x33: {  	v5 =	vadd.s32 v3, v5;
	_ =	sdelay $0x3  }
0x34: {  	[tilespmem:v4+s9+$0x0] =	vst.idx.msk $0xffff, v2  }
0x35: {  	[tilespmem:v5+s9+$0x0] =	vst.idx.msk $0x3ff, v2  }
0x36: {  	[hbm4b:s4+s1] =	stream.linear.scatter [tilespmem:s9], [sflag:$0x1], $0x8000, $0x38;
	[tilespmem:$0x10D80] =	vst v63  }
0x37: {  	v4 =	vld [tilespmem:$0x1A]  }
0x38: {  	v5 =	vld [tilespmem:$0x2A];
	_ =	sdelay $0x3  }
0x39: {  	v61 =	vshll.u32 v4, $0x3  }
0x3a: {  	v4 =	vand.u32 $0x7F, v4;
	v62 =	vshll.u32 v5, $0x3;
	v6 =	vand.u32 $0xFFFFFC00, v61  }
0x3b: {  	v5 =	vand.u32 $0x7F, v5;
	v63 =	vand.u32 $0xFFFFFC00, v62;
	v4 =	vor.u32 v4, v6  }
0x3c: {  	v5 =	vor.u32 v5, v63;
	v4 =	vadd.s32 v1, v4  }
0x3d: {  	v5 =	vadd.s32 v3, v5;
	_ =	sdelay $0x3  }
0x3e: {  	[tilespmem:v4+s10+$0x0] =	vst.idx.msk $0xffff, v2  }
0x3f: {  	s14 =	simm.s32 $0x2;
	s15 =	simm.s32 $0x34;
	s16 =	smov.u32 s7;
	[tilespmem:v5+s10+$0x0] =	vst.idx.msk $0x3ff, v2  }
0x40: {  	[hbm4b:s6+s1] =	stream.linear.scatter [tilespmem:s10], [sflag:$0x2], $0x8000, $0x38;
	[tilespmem:$0x10D80] =	vst v63  }
.LBB2_6:
0x41: {  	s17 =	sand.u32 $0x1, s14  }
0x42: {  	s18 =	sadd.s32 $0x1, s17  }
0x43: {  	_ =	swait.ge [sflag:s18], $0x8000  }
0x44: {  	[sflag:s18] =	ssyncset.done $0x0  }
0x45: {  	[sflag:s18] =	ssyncadd.s32 $0xFFFF8000  }
0x46: {  	v4 =	vld [tilespmem:s15+$0xFFFFFFCC]  }
0x47: {  	v5 =	vld [tilespmem:s15+$0xFFFFFFDC];
	_ =	sdelay $0x3  }
0x48: {  	v6 =	vshll.u32 v4, $0x3  }
0x49: {  	v4 =	vand.u32 $0x7F, v4;
	v7 =	vshll.u32 v5, $0x3;
	v6 =	vand.u32 $0xFFFFFC00, v6  }
0x4a: {  	v5 =	vand.u32 $0x7F, v5;
	v60 =	vand.u32 $0xFFFFFC00, v7;
	v4 =	vor.u32 v4, v6  }
0x4b: {  	v5 =	vor.u32 v5, v60;
	v4 =	vadd.s32 v1, v4  }
0x4c: {  	v5 =	vadd.s32 v3, v5;
	_ =	sdelay $0x1  }
0x4d: {  	s17 =	sshll.u32 s17, $0xF  }
0x4e: {  	s17 =	sor.u32 $0xD80, s17  }
0x4f: {  	[tilespmem:v4+s17+$0x0] =	vst.idx.msk $0xffff, v0  }
0x50: {  	[tilespmem:v5+s17+$0x0] =	vst.idx.msk $0x3ff, v0  }
0x51: {  	v4 =	vld [tilespmem:s15+$0x0]  }
0x52: {  	v5 =	vld [tilespmem:s15+$0x10];
	_ =	sdelay $0x3  }
0x53: {  	v61 =	vshll.u32 v4, $0x3  }
0x54: {  	v4 =	vand.u32 $0x7F, v4;
	v62 =	vshll.u32 v5, $0x3;
	v6 =	vand.u32 $0xFFFFFC00, v61  }
0x55: {  	v5 =	vand.u32 $0x7F, v5;
	v63 =	vand.u32 $0xFFFFFC00, v62;
	v4 =	vor.u32 v4, v6  }
0x56: {  	v5 =	vor.u32 v5, v63;
	v4 =	vadd.s32 v1, v4  }
0x57: {  	v5 =	vadd.s32 v3, v5;
	_ =	sdelay $0x1  }
0x58: {  	p0 =	sne.s32 s14, $0x7F  }
.Ltmp2:
0x59: {  	_ = 	snop;
	(pc) =	sbr.rel @p0 .LBB2_6-.Ltmp2, $4  }
0x5a: {  	[tilespmem:v4+s17+$0x0] =	vst.idx.msk $0xffff, v2  }
0x5b: {  	[tilespmem:v5+s17+$0x0] =	vst.idx.msk $0x3ff, v2  }
0x5c: {  	[hbm4b:s16+s1] =	stream.linear.scatter [tilespmem:s17], [sflag:s18], $0x8000, $0x38;
	[tilespmem:$0x10D80] =	vst v63  }
0x5d: {  	s14 =	sadd.s32 $0x1, s14;
	s15 =	sadd.s32 $0x1A, s15;
	s16 =	sadd.s32 $0x1000, s16  }
0x5e: {  	s13 =	sadd.s32 $0x1, s13  }
0x5f: {  	_ =	swait.ge [sflag:s11], $0x8000;
	p0 =	sne.s32 s13, s5  }
.Ltmp3:
0x60: {  	[sflag:s11] =	ssyncset.done $0x0;
	(pc) =	sbr.rel @p0 .LBB2_1-.Ltmp3, $4  }
0x61: {  	[sflag:s11] =	ssyncadd.s32 $0xFFFF8000  }
0x62: {  	_ =	swait.ge [sflag:s12], $0x8000  }
0x63: {  	[sflag:s12] =	ssyncset.done $0x0  }
0x64: {  	[sflag:s12] =	ssyncadd.s32 $0xFFFF8000  }
0x65: {  	_ =	sfence.sel $0x180000  }
0x66: {  	[bflag:$0x0] =	sbarrier.arrive $0xFFFF  }
0x67: {  	p0 =	sne.s32 s2, $0x0;
	_ =	strace $0x90000047  }
0x68: {  	s0 =	sadd.s32 @!p0 $0x100000, s0;
	[bflag:$0x2] =	sbarrier.arrive $0xFFFF  }
0x69: {  	[sflag:s0] =	ssyncadd.tile.s32 @!p0 $0x1;
	_ =	shalt  }
.Lfunc_end2:
_tile_overlayer_lowered:
.L_overlay_start_2:
0x6a: {  	(tag) =	ssettag $0x2  }
0x6b: {  	s0 =	rddreg [dreg:$0x0];
	s2 =	stileid.u32  }
0x6c: {  	s1 =	rddreg [dreg:$0x1];
	p0 =	sne.s32 s2, $0x0  }
0x6d: {  	s3 =	rddreg [dreg:$0x2];
	[bflag:$0x3] =	sbarrier.arrive $0xFFFF;
	s2 =	simm.s32 @!p0 $0x1C03  }
0x6e: {  	[timem:s3], [sflag:s2] =	dma.local @!p0 [hbm:s0], s1  }
0x6f: {  	s0 =	simm.s32 @!p0 $0x3  }
0x70: {  	_ =	swait.ge @!p0 [sflag:s0], s1  }
0x71: {  	s1 =	ssub.s32 @!p0 $0x0, s1;
	[sflag:s0] =	ssyncset.done @!p0 $0x0  }
0x72: {  	[sflag:s0] =	ssyncadd.s32 @!p0 s1  }
0x73: {  	[bflag:$0x3] =	sbarrier.arrive $0xFFFF  }
0x74: {  	_ =	shalt  }

</sc_bundles>
